<compile_context>
chip_gen: v7x
topology: tpu7x:2x2x1
jax: 0.10.2.dev20260603
libtpu: 0.0.44.dev20260713+nightly
codegen_flags: <defaults>
</compile_context>

<pallas_src>
import functools

import jax
import jax.numpy as jnp
from jax import lax
from jax.experimental import pallas as pl
from jax.experimental.pallas import tpu as pltpu
from jax.experimental.pallas import tpu_sc as plsc

IGNORE_INDEX = -100
LANES = 16
IDX_MINOR = 128


def _sc_workers():
    try:
        info = plsc.get_sparse_core_info()
        return info.num_cores, info.num_subcores
    except Exception:
        return 2, 16


@functools.lru_cache(maxsize=None)
def _build(B: int, C: int):
    NC, NS = _sc_workers()
    NW = NC * NS
    assert B % (NW * IDX_MINOR) == 0 and C % 8 == 0
    assert B & (B - 1) == 0
    SH_T = (8 * B).bit_length() - 1
    CP = 1 << (C - 1).bit_length()
    SH_W = CP.bit_length() - 1
    b_per_w = B // NW
    n_str = b_per_w // IDX_MINOR
    mesh = plsc.VectorSubcoreMesh(core_axis_name="c", subcore_axis_name="s",
                                  num_cores=NC)

    @functools.partial(
        pl.kernel,
        out_type=jax.ShapeDtypeStruct((B,), jnp.float32),
        mesh=mesh,
        scratch_types=[
            pltpu.VMEM((b_per_w,), jnp.int32),
            pltpu.VMEM((b_per_w,), jnp.int32),
            pltpu.VMEM((b_per_w,), jnp.int32),
            pltpu.VMEM((b_per_w,), jnp.float32),
            pltpu.VMEM((b_per_w,), jnp.float32),
            pltpu.VMEM((b_per_w,), jnp.float32),
            pltpu.SemaphoreType.DMA,
        ],
    )
    def nll_kernel(xf_hbm, tgt_hbm, w_hbm, out_hbm,
                   tgt_v, idx_v, safe_v, picked_v, wpick_v, out_v, sem):
        wid = lax.axis_index("s") * NC + lax.axis_index("c")
        base = wid * b_per_w

        pltpu.sync_copy(tgt_hbm.at[pl.ds(base, b_per_w)], tgt_v)

        lane = lax.iota(jnp.int32, LANES)

        wbase = wid << SH_W

        def idx_body(j, _):
            o = j * LANES
            tv = tgt_v[pl.ds(o, LANES)]
            safe_t = jnp.where(tv == IGNORE_INDEX, 0, tv)
            rows = base + o + lane
            safe_v[pl.ds(o, LANES)] = wbase + safe_t
            idx_v[pl.ds(o, LANES)] = (
                ((safe_t >> 3) << SH_T)
                + ((rows >> 7) << 10)
                + ((safe_t & 7) << 7)
                + (rows & 127))
            return _

        lax.fori_loop(0, b_per_w // LANES, idx_body, None)

        copies = []
        for r in range(n_str):
            s = pl.ds(r * IDX_MINOR, IDX_MINOR)
            copies.append(
                pltpu.async_copy(xf_hbm.at[idx_v.at[s]], picked_v.at[s], sem))
        for r in range(n_str):
            s = pl.ds(r * IDX_MINOR, IDX_MINOR)
            copies.append(
                pltpu.async_copy(w_hbm.at[safe_v.at[s]], wpick_v.at[s], sem))
        for c in copies:
            c.wait()

        def out_body(j, _):
            o = j * LANES
            tv = tgt_v[pl.ds(o, LANES)]
            valid = tv != IGNORE_INDEX
            wv = wpick_v[pl.ds(o, LANES)]
            pk = picked_v[pl.ds(o, LANES)]
            out_v[pl.ds(o, LANES)] = jnp.where(
                valid, -(wv * pk), jnp.float32(0.0))
            return _

        lax.fori_loop(0, b_per_w // LANES, out_body, None)

        pltpu.sync_copy(out_v, out_hbm.at[pl.ds(base, b_per_w)])

    return nll_kernel


def kernel(x, target, weight):
    B, C = x.shape
    fn = _build(B, C)
    x_flat = (x.T.reshape(C // 8, 8, B // 128, 128)
              .transpose(0, 2, 1, 3).reshape(-1))
    nw, cp = _sc_workers()[0] * _sc_workers()[1], 1 << (C - 1).bit_length()
    w_rep = jnp.broadcast_to(
        jnp.pad(weight.astype(jnp.float32), (0, cp - C)), (nw, cp)).reshape(-1)
    return fn(x_flat,
              target.astype(jnp.int32),
              w_rep)

# --- scband reference (transcript-rebuilt; emitter-appended) ---
"""Pipeline reference for scband-custom-module-55276229099872 (READ-ONLY COPY).

The authoritative reference and input builder live on the scoring server;
editing this copy changes nothing except your own understanding.
"""

import jax, jax.numpy as jnp
import numpy as np

B = 16384
C = 1000
IGNORE_INDEX = -100

def setup_inputs(seed: int = 0) -> dict:
    key = jax.random.key(seed)
    k1, k2, k3 = jax.random.split(key, 3)
    x = jax.random.normal(k1, (B, C), dtype=jnp.float32)
    target = jax.random.randint(k2, (B,), 0, C, dtype=jnp.int64 if jax.config.read('jax_enable_x64') else jnp.int32)
    weight = jax.random.uniform(k3, (C,), dtype=jnp.float32)
    return {"x": x, "target": target, "weight": weight}

def reference(x, target, weight):
    # torch.nn.functional.nll_loss(x, target, weight=weight, reduction='none', ignore_index=-100)
    # out[i] = -weight[target[i]] * x[i, target[i]], and 0.0 where target[i] == ignore_index
    valid = target != IGNORE_INDEX
    safe_t = jnp.where(valid, target, 0)
    picked = jnp.take_along_axis(x, safe_t[:, None], axis=1)[:, 0]
    w = jnp.take(weight, safe_t, axis=0)
    loss = jnp.where(valid, -w * picked, jnp.zeros_like(picked))
    return loss

if __name__ == "__main__":
    import jax
    _d = setup_inputs()
    print(jax.jit(kernel)(*tuple(_d.values())))

</pallas_src>

<mosaic_0001>
#map = affine_map<(d0, d1) -> (0)>
module attributes {stable_mosaic.version = 14 : i64} {
  func.func @nll_kernel(%arg0: i32, %arg1: i32, %arg2: memref<16384000xf32, #tpu.memory_space<hbm>>, %arg3: memref<16384xi32, #tpu.memory_space<hbm>>, %arg4: memref<32768xf32, #tpu.memory_space<hbm>>, %arg5: memref<16384xf32, #tpu.memory_space<hbm>>, %arg6: memref<512xi32, #tpu.memory_space<vmem>>, %arg7: memref<512xi32, #tpu.memory_space<vmem>>, %arg8: memref<512xi32, #tpu.memory_space<vmem>>, %arg9: memref<512xf32, #tpu.memory_space<vmem>>, %arg10: memref<512xf32, #tpu.memory_space<vmem>>, %arg11: memref<512xf32, #tpu.memory_space<vmem>>, %arg12: memref<!tpu.dma_semaphore, #tpu.memory_space<semaphore_mem>>) attributes {dimension_semantics = [#tpu.dimension_semantics<core_parallel>, #tpu.dimension_semantics<subcore_parallel>], iteration_bounds = array<i64: 2, 16>, scalar_prefetch = 0 : i64, scratch_operands = 7 : i64, tpu.core_type = #tpu.core_type<sc_vector_subcore>, window_params = [{transform_indices = #map}, {transform_indices = #map}, {transform_indices = #map}, {transform_indices = #map}]} {
    %mul3A = arith.constant 2 : i32
    %mul3A_0 = arith.muli %arg1, %mul3A : i32
    %add3A = arith.addi %mul3A_0, %arg0 : i32
    %mul3A_1 = arith.constant 512 : i32
    %mul3A_2 = arith.muli %add3A, %mul3A_1 : i32
    "tpu.region"() ({
      %run_scoped3A = tpu.sem_alloc : memref<!tpu.dma_semaphore, #tpu.memory_space<semaphore_mem>>
      %dma_start3A_107 = tpu.memref_slice %arg3[%mul3A_2] : memref<16384xi32, #tpu.memory_space<hbm>> -> memref<512xi32, #tpu.memory_space<hbm>>
      %dma_start3A_108 = tpu.memref_slice %arg3[%mul3A_2] : memref<16384xi32, #tpu.memory_space<hbm>> -> memref<512xi32, #tpu.memory_space<hbm>>
      tpu.enqueue_dma source(%dma_start3A_108 : memref<512xi32, #tpu.memory_space<hbm>>) target(%arg6 : memref<512xi32, #tpu.memory_space<vmem>>) target_semaphore(%run_scoped3A : memref<!tpu.dma_semaphore, #tpu.memory_space<semaphore_mem>>)
      %dma_wait3A_109 = tpu.memref_slice %arg3[%mul3A_2] : memref<16384xi32, #tpu.memory_space<hbm>> -> memref<512xi32, #tpu.memory_space<hbm>>
      %dma_wait3A_110 = tpu.memref_slice %arg3[%mul3A_2] : memref<16384xi32, #tpu.memory_space<hbm>> -> memref<512xi32, #tpu.memory_space<hbm>>
      tpu.wait_dma2 semaphore(%run_scoped3A : memref<!tpu.dma_semaphore, #tpu.memory_space<semaphore_mem>>) src(%dma_wait3A_110 : memref<512xi32, #tpu.memory_space<hbm>>) dst(%arg6 : memref<512xi32, #tpu.memory_space<vmem>>)
      tpu.yield
    }) : () -> ()
    %iota3A = tpu.iota {dimensions = array<i32: 0>} : vector<16xi32>
    %shift_left3A = arith.constant 10 : i32
    %shift_left3A_3 = arith.shli %add3A, %shift_left3A : i32
    %scan3A = arith.constant 0 : i32
    %scan3A_4 = arith.constant 32 : i32
    %scan3A_5 = arith.addi %scan3A, %scan3A_4 : i32
    %scan3A_6 = arith.constant 1 : i32
    scf.for %scan3A_107 = %scan3A to %scan3A_5 step %scan3A_6  : i32 {
      %mul3A_108 = arith.constant 16 : i32
      %mul3A_109 = arith.muli %scan3A_107, %mul3A_108 : i32
      %get3A = arith.index_cast %mul3A_109 : i32 to index
      %get3A_110 = tpu.vector_load %arg6[%get3A] {strides = array<i32>} : memref<512xi32, #tpu.memory_space<vmem>>, vector<16xi32>,
      %get3A_111 = vector.shape_cast %get3A_110 : vector<16xi32> to vector<16xi32>
      %eq3A = arith.constant -100 : i32
      %eq3A_112 = vector.broadcast %eq3A : i32 to vector<16xi32>
      %eq3A_113 = arith.cmpi eq, %get3A_111, %eq3A_112 : vector<16xi32>
      %jit3A = arith.constant 0 : i32
      %broadcast_in_dim3A = vector.broadcast %jit3A : i32 to vector<16xi32>
      %select_n3A = arith.select %eq3A_113, %broadcast_in_dim3A, %get3A_111 : vector<16xi1>, vector<16xi32>
      %add3A_114 = arith.addi %mul3A_2, %mul3A_109 : i32
      %add3A_115 = vector.broadcast %add3A_114 : i32 to vector<16xi32>
      %add3A_116 = arith.addi %add3A_115, %iota3A : vector<16xi32>
      %add3A_117 = vector.broadcast %shift_left3A_3 : i32 to vector<16xi32>
      %add3A_118 = arith.addi %add3A_117, %select_n3A : vector<16xi32>
      %swap3A = arith.index_cast %mul3A_109 : i32 to index
      %swap3A_119 = tpu.vector_load %arg8[%swap3A] {strides = array<i32>} : memref<512xi32, #tpu.memory_space<vmem>>, vector<16xi32>,
      %swap3A_120 = vector.shape_cast %swap3A_119 : vector<16xi32> to vector<16xi32>
      %swap3A_121 = vector.shape_cast %add3A_118 : vector<16xi32> to vector<16xi32>
      tpu.vector_store %arg8[%swap3A], %swap3A_121 {strides = array<i32>} : memref<512xi32, #tpu.memory_space<vmem>>, vector<16xi32>,
      %shift_right_arithmetic3A = arith.constant 3 : i32
      %shift_right_arithmetic3A_122 = vector.broadcast %shift_right_arithmetic3A : i32 to vector<16xi32>
      %shift_right_arithmetic3A_123 = arith.shrsi %select_n3A, %shift_right_arithmetic3A_122 : vector<16xi32>
      %shift_left3A_124 = arith.constant 17 : i32
      %shift_left3A_125 = vector.broadcast %shift_left3A_124 : i32 to vector<16xi32>
      %shift_left3A_126 = arith.shli %shift_right_arithmetic3A_123, %shift_left3A_125 : vector<16xi32>
      %shift_right_arithmetic3A_127 = arith.constant 7 : i32
      %shift_right_arithmetic3A_128 = vector.broadcast %shift_right_arithmetic3A_127 : i32 to vector<16xi32>
      %shift_right_arithmetic3A_129 = arith.shrsi %add3A_116, %shift_right_arithmetic3A_128 : vector<16xi32>
      %shift_left3A_130 = arith.constant 10 : i32
      %shift_left3A_131 = vector.broadcast %shift_left3A_130 : i32 to vector<16xi32>
      %shift_left3A_132 = arith.shli %shift_right_arithmetic3A_129, %shift_left3A_131 : vector<16xi32>
      %add3A_133 = arith.addi %shift_left3A_126, %shift_left3A_132 : vector<16xi32>
      %and3A = arith.constant 7 : i32
      %and3A_134 = vector.broadcast %and3A : i32 to vector<16xi32>
      %and3A_135 = arith.andi %select_n3A, %and3A_134 : vector<16xi32>
      %shift_left3A_136 = arith.constant 7 : i32
      %shift_left3A_137 = vector.broadcast %shift_left3A_136 : i32 to vector<16xi32>
      %shift_left3A_138 = arith.shli %and3A_135, %shift_left3A_137 : vector<16xi32>
      %add3A_139 = arith.addi %add3A_133, %shift_left3A_138 : vector<16xi32>
      %and3A_140 = arith.constant 127 : i32
      %and3A_141 = vector.broadcast %and3A_140 : i32 to vector<16xi32>
      %and3A_142 = arith.andi %add3A_116, %and3A_141 : vector<16xi32>
      %add3A_143 = arith.addi %add3A_139, %and3A_142 : vector<16xi32>
      %swap3A_144 = arith.index_cast %mul3A_109 : i32 to index
      %swap3A_145 = tpu.vector_load %arg7[%swap3A_144] {strides = array<i32>} : memref<512xi32, #tpu.memory_space<vmem>>, vector<16xi32>,
      %swap3A_146 = vector.shape_cast %swap3A_145 : vector<16xi32> to vector<16xi32>
      %swap3A_147 = vector.shape_cast %add3A_143 : vector<16xi32> to vector<16xi32>
      tpu.vector_store %arg7[%swap3A_144], %swap3A_147 {strides = array<i32>} : memref<512xi32, #tpu.memory_space<vmem>>, vector<16xi32>,
    }
    %scan3A_7 = arith.constant 32 : i32
    %dma_start3A = arith.constant 0 : i32
    %dma_start3A_8 = tpu.memref_slice %arg9[%dma_start3A] : memref<512xf32, #tpu.memory_space<vmem>> -> memref<128xf32, #tpu.memory_space<vmem>>
    %dma_start3A_9 = arith.constant 0 : i32
    %dma_start3A_10 = tpu.memref_slice %arg7[%dma_start3A_9] : memref<512xi32, #tpu.memory_space<vmem>> -> memref<128xi32, #tpu.memory_space<vmem>>
    %dma_start3A_11 = arith.constant 0 : i32
    %dma_start3A_12 = tpu.memref_slice %arg2[%dma_start3A_11] : memref<16384000xf32, #tpu.memory_space<hbm>> -> memref<16384000xf32, #tpu.memory_space<hbm>>
    tpu.enqueue_indirect_dma source(%dma_start3A_12 : memref<16384000xf32, #tpu.memory_space<hbm>>) target(%dma_start3A_8 : memref<128xf32, #tpu.memory_space<vmem>>) offsets(%dma_start3A_10 : memref<128xi32, #tpu.memory_space<vmem>>) semaphore(%arg12 : memref<!tpu.dma_semaphore, #tpu.memory_space<semaphore_mem>>)
    %dma_start3A_13 = arith.constant 128 : i32
    %dma_start3A_14 = tpu.memref_slice %arg9[%dma_start3A_13] : memref<512xf32, #tpu.memory_space<vmem>> -> memref<128xf32, #tpu.memory_space<vmem>>
    %dma_start3A_15 = arith.constant 128 : i32
    %dma_start3A_16 = tpu.memref_slice %arg7[%dma_start3A_15] : memref<512xi32, #tpu.memory_space<vmem>> -> memref<128xi32, #tpu.memory_space<vmem>>
    %dma_start3A_17 = arith.constant 0 : i32
    %dma_start3A_18 = tpu.memref_slice %arg2[%dma_start3A_17] : memref<16384000xf32, #tpu.memory_space<hbm>> -> memref<16384000xf32, #tpu.memory_space<hbm>>
    tpu.enqueue_indirect_dma source(%dma_start3A_18 : memref<16384000xf32, #tpu.memory_space<hbm>>) target(%dma_start3A_14 : memref<128xf32, #tpu.memory_space<vmem>>) offsets(%dma_start3A_16 : memref<128xi32, #tpu.memory_space<vmem>>) semaphore(%arg12 : memref<!tpu.dma_semaphore, #tpu.memory_space<semaphore_mem>>)
    %dma_start3A_19 = arith.constant 256 : i32
    %dma_start3A_20 = tpu.memref_slice %arg9[%dma_start3A_19] : memref<512xf32, #tpu.memory_space<vmem>> -> memref<128xf32, #tpu.memory_space<vmem>>
    %dma_start3A_21 = arith.constant 256 : i32
    %dma_start3A_22 = tpu.memref_slice %arg7[%dma_start3A_21] : memref<512xi32, #tpu.memory_space<vmem>> -> memref<128xi32, #tpu.memory_space<vmem>>
    %dma_start3A_23 = arith.constant 0 : i32
    %dma_start3A_24 = tpu.memref_slice %arg2[%dma_start3A_23] : memref<16384000xf32, #tpu.memory_space<hbm>> -> memref<16384000xf32, #tpu.memory_space<hbm>>
    tpu.enqueue_indirect_dma source(%dma_start3A_24 : memref<16384000xf32, #tpu.memory_space<hbm>>) target(%dma_start3A_20 : memref<128xf32, #tpu.memory_space<vmem>>) offsets(%dma_start3A_22 : memref<128xi32, #tpu.memory_space<vmem>>) semaphore(%arg12 : memref<!tpu.dma_semaphore, #tpu.memory_space<semaphore_mem>>)
    %dma_start3A_25 = arith.constant 384 : i32
    %dma_start3A_26 = tpu.memref_slice %arg9[%dma_start3A_25] : memref<512xf32, #tpu.memory_space<vmem>> -> memref<128xf32, #tpu.memory_space<vmem>>
    %dma_start3A_27 = arith.constant 384 : i32
    %dma_start3A_28 = tpu.memref_slice %arg7[%dma_start3A_27] : memref<512xi32, #tpu.memory_space<vmem>> -> memref<128xi32, #tpu.memory_space<vmem>>
    %dma_start3A_29 = arith.constant 0 : i32
    %dma_start3A_30 = tpu.memref_slice %arg2[%dma_start3A_29] : memref<16384000xf32, #tpu.memory_space<hbm>> -> memref<16384000xf32, #tpu.memory_space<hbm>>
    tpu.enqueue_indirect_dma source(%dma_start3A_30 : memref<16384000xf32, #tpu.memory_space<hbm>>) target(%dma_start3A_26 : memref<128xf32, #tpu.memory_space<vmem>>) offsets(%dma_start3A_28 : memref<128xi32, #tpu.memory_space<vmem>>) semaphore(%arg12 : memref<!tpu.dma_semaphore, #tpu.memory_space<semaphore_mem>>)
    %dma_start3A_31 = arith.constant 0 : i32
    %dma_start3A_32 = tpu.memref_slice %arg10[%dma_start3A_31] : memref<512xf32, #tpu.memory_space<vmem>> -> memref<128xf32, #tpu.memory_space<vmem>>
    %dma_start3A_33 = arith.constant 0 : i32
    %dma_start3A_34 = tpu.memref_slice %arg8[%dma_start3A_33] : memref<512xi32, #tpu.memory_space<vmem>> -> memref<128xi32, #tpu.memory_space<vmem>>
    %dma_start3A_35 = arith.constant 0 : i32
    %dma_start3A_36 = tpu.memref_slice %arg4[%dma_start3A_35] : memref<32768xf32, #tpu.memory_space<hbm>> -> memref<32768xf32, #tpu.memory_space<hbm>>
    tpu.enqueue_indirect_dma source(%dma_start3A_36 : memref<32768xf32, #tpu.memory_space<hbm>>) target(%dma_start3A_32 : memref<128xf32, #tpu.memory_space<vmem>>) offsets(%dma_start3A_34 : memref<128xi32, #tpu.memory_space<vmem>>) semaphore(%arg12 : memref<!tpu.dma_semaphore, #tpu.memory_space<semaphore_mem>>)
    %dma_start3A_37 = arith.constant 128 : i32
    %dma_start3A_38 = tpu.memref_slice %arg10[%dma_start3A_37] : memref<512xf32, #tpu.memory_space<vmem>> -> memref<128xf32, #tpu.memory_space<vmem>>
    %dma_start3A_39 = arith.constant 128 : i32
    %dma_start3A_40 = tpu.memref_slice %arg8[%dma_start3A_39] : memref<512xi32, #tpu.memory_space<vmem>> -> memref<128xi32, #tpu.memory_space<vmem>>
    %dma_start3A_41 = arith.constant 0 : i32
    %dma_start3A_42 = tpu.memref_slice %arg4[%dma_start3A_41] : memref<32768xf32, #tpu.memory_space<hbm>> -> memref<32768xf32, #tpu.memory_space<hbm>>
    tpu.enqueue_indirect_dma source(%dma_start3A_42 : memref<32768xf32, #tpu.memory_space<hbm>>) target(%dma_start3A_38 : memref<128xf32, #tpu.memory_space<vmem>>) offsets(%dma_start3A_40 : memref<128xi32, #tpu.memory_space<vmem>>) semaphore(%arg12 : memref<!tpu.dma_semaphore, #tpu.memory_space<semaphore_mem>>)
    %dma_start3A_43 = arith.constant 256 : i32
    %dma_start3A_44 = tpu.memref_slice %arg10[%dma_start3A_43] : memref<512xf32, #tpu.memory_space<vmem>> -> memref<128xf32, #tpu.memory_space<vmem>>
    %dma_start3A_45 = arith.constant 256 : i32
    %dma_start3A_46 = tpu.memref_slice %arg8[%dma_start3A_45] : memref<512xi32, #tpu.memory_space<vmem>> -> memref<128xi32, #tpu.memory_space<vmem>>
    %dma_start3A_47 = arith.constant 0 : i32
    %dma_start3A_48 = tpu.memref_slice %arg4[%dma_start3A_47] : memref<32768xf32, #tpu.memory_space<hbm>> -> memref<32768xf32, #tpu.memory_space<hbm>>
    tpu.enqueue_indirect_dma source(%dma_start3A_48 : memref<32768xf32, #tpu.memory_space<hbm>>) target(%dma_start3A_44 : memref<128xf32, #tpu.memory_space<vmem>>) offsets(%dma_start3A_46 : memref<128xi32, #tpu.memory_space<vmem>>) semaphore(%arg12 : memref<!tpu.dma_semaphore, #tpu.memory_space<semaphore_mem>>)
    %dma_start3A_49 = arith.constant 384 : i32
    %dma_start3A_50 = tpu.memref_slice %arg10[%dma_start3A_49] : memref<512xf32, #tpu.memory_space<vmem>> -> memref<128xf32, #tpu.memory_space<vmem>>
    %dma_start3A_51 = arith.constant 384 : i32
    %dma_start3A_52 = tpu.memref_slice %arg8[%dma_start3A_51] : memref<512xi32, #tpu.memory_space<vmem>> -> memref<128xi32, #tpu.memory_space<vmem>>
    %dma_start3A_53 = arith.constant 0 : i32
    %dma_start3A_54 = tpu.memref_slice %arg4[%dma_start3A_53] : memref<32768xf32, #tpu.memory_space<hbm>> -> memref<32768xf32, #tpu.memory_space<hbm>>
    tpu.enqueue_indirect_dma source(%dma_start3A_54 : memref<32768xf32, #tpu.memory_space<hbm>>) target(%dma_start3A_50 : memref<128xf32, #tpu.memory_space<vmem>>) offsets(%dma_start3A_52 : memref<128xi32, #tpu.memory_space<vmem>>) semaphore(%arg12 : memref<!tpu.dma_semaphore, #tpu.memory_space<semaphore_mem>>)
    %dma_wait3A = arith.constant 0 : i32
    %dma_wait3A_55 = tpu.memref_slice %arg9[%dma_wait3A] : memref<512xf32, #tpu.memory_space<vmem>> -> memref<128xf32, #tpu.memory_space<vmem>>
    %dma_wait3A_56 = arith.constant 0 : i32
    %dma_wait3A_57 = tpu.memref_slice %arg7[%dma_wait3A_56] : memref<512xi32, #tpu.memory_space<vmem>> -> memref<128xi32, #tpu.memory_space<vmem>>
    %dma_wait3A_58 = arith.constant 0 : i32
    %dma_wait3A_59 = tpu.memref_slice %arg2[%dma_wait3A_58] : memref<16384000xf32, #tpu.memory_space<hbm>> -> memref<16384000xf32, #tpu.memory_space<hbm>>
    tpu.wait_indirect_dma semaphore(%arg12 : memref<!tpu.dma_semaphore, #tpu.memory_space<semaphore_mem>>) src(%dma_wait3A_59 : memref<16384000xf32, #tpu.memory_space<hbm>>) dst(%dma_wait3A_55 : memref<128xf32, #tpu.memory_space<vmem>>)
    %dma_wait3A_60 = arith.constant 128 : i32
    %dma_wait3A_61 = tpu.memref_slice %arg9[%dma_wait3A_60] : memref<512xf32, #tpu.memory_space<vmem>> -> memref<128xf32, #tpu.memory_space<vmem>>
    %dma_wait3A_62 = arith.constant 128 : i32
    %dma_wait3A_63 = tpu.memref_slice %arg7[%dma_wait3A_62] : memref<512xi32, #tpu.memory_space<vmem>> -> memref<128xi32, #tpu.memory_space<vmem>>
    %dma_wait3A_64 = arith.constant 0 : i32
    %dma_wait3A_65 = tpu.memref_slice %arg2[%dma_wait3A_64] : memref<16384000xf32, #tpu.memory_space<hbm>> -> memref<16384000xf32, #tpu.memory_space<hbm>>
    tpu.wait_indirect_dma semaphore(%arg12 : memref<!tpu.dma_semaphore, #tpu.memory_space<semaphore_mem>>) src(%dma_wait3A_65 : memref<16384000xf32, #tpu.memory_space<hbm>>) dst(%dma_wait3A_61 : memref<128xf32, #tpu.memory_space<vmem>>)
    %dma_wait3A_66 = arith.constant 256 : i32
    %dma_wait3A_67 = tpu.memref_slice %arg9[%dma_wait3A_66] : memref<512xf32, #tpu.memory_space<vmem>> -> memref<128xf32, #tpu.memory_space<vmem>>
    %dma_wait3A_68 = arith.constant 256 : i32
    %dma_wait3A_69 = tpu.memref_slice %arg7[%dma_wait3A_68] : memref<512xi32, #tpu.memory_space<vmem>> -> memref<128xi32, #tpu.memory_space<vmem>>
    %dma_wait3A_70 = arith.constant 0 : i32
    %dma_wait3A_71 = tpu.memref_slice %arg2[%dma_wait3A_70] : memref<16384000xf32, #tpu.memory_space<hbm>> -> memref<16384000xf32, #tpu.memory_space<hbm>>
    tpu.wait_indirect_dma semaphore(%arg12 : memref<!tpu.dma_semaphore, #tpu.memory_space<semaphore_mem>>) src(%dma_wait3A_71 : memref<16384000xf32, #tpu.memory_space<hbm>>) dst(%dma_wait3A_67 : memref<128xf32, #tpu.memory_space<vmem>>)
    %dma_wait3A_72 = arith.constant 384 : i32
    %dma_wait3A_73 = tpu.memref_slice %arg9[%dma_wait3A_72] : memref<512xf32, #tpu.memory_space<vmem>> -> memref<128xf32, #tpu.memory_space<vmem>>
    %dma_wait3A_74 = arith.constant 384 : i32
    %dma_wait3A_75 = tpu.memref_slice %arg7[%dma_wait3A_74] : memref<512xi32, #tpu.memory_space<vmem>> -> memref<128xi32, #tpu.memory_space<vmem>>
    %dma_wait3A_76 = arith.constant 0 : i32
    %dma_wait3A_77 = tpu.memref_slice %arg2[%dma_wait3A_76] : memref<16384000xf32, #tpu.memory_space<hbm>> -> memref<16384000xf32, #tpu.memory_space<hbm>>
    tpu.wait_indirect_dma semaphore(%arg12 : memref<!tpu.dma_semaphore, #tpu.memory_space<semaphore_mem>>) src(%dma_wait3A_77 : memref<16384000xf32, #tpu.memory_space<hbm>>) dst(%dma_wait3A_73 : memref<128xf32, #tpu.memory_space<vmem>>)
    %dma_wait3A_78 = arith.constant 0 : i32
    %dma_wait3A_79 = tpu.memref_slice %arg10[%dma_wait3A_78] : memref<512xf32, #tpu.memory_space<vmem>> -> memref<128xf32, #tpu.memory_space<vmem>>
    %dma_wait3A_80 = arith.constant 0 : i32
    %dma_wait3A_81 = tpu.memref_slice %arg8[%dma_wait3A_80] : memref<512xi32, #tpu.memory_space<vmem>> -> memref<128xi32, #tpu.memory_space<vmem>>
    %dma_wait3A_82 = arith.constant 0 : i32
    %dma_wait3A_83 = tpu.memref_slice %arg4[%dma_wait3A_82] : memref<32768xf32, #tpu.memory_space<hbm>> -> memref<32768xf32, #tpu.memory_space<hbm>>
    tpu.wait_indirect_dma semaphore(%arg12 : memref<!tpu.dma_semaphore, #tpu.memory_space<semaphore_mem>>) src(%dma_wait3A_83 : memref<32768xf32, #tpu.memory_space<hbm>>) dst(%dma_wait3A_79 : memref<128xf32, #tpu.memory_space<vmem>>)
    %dma_wait3A_84 = arith.constant 128 : i32
    %dma_wait3A_85 = tpu.memref_slice %arg10[%dma_wait3A_84] : memref<512xf32, #tpu.memory_space<vmem>> -> memref<128xf32, #tpu.memory_space<vmem>>
    %dma_wait3A_86 = arith.constant 128 : i32
    %dma_wait3A_87 = tpu.memref_slice %arg8[%dma_wait3A_86] : memref<512xi32, #tpu.memory_space<vmem>> -> memref<128xi32, #tpu.memory_space<vmem>>
    %dma_wait3A_88 = arith.constant 0 : i32
    %dma_wait3A_89 = tpu.memref_slice %arg4[%dma_wait3A_88] : memref<32768xf32, #tpu.memory_space<hbm>> -> memref<32768xf32, #tpu.memory_space<hbm>>
    tpu.wait_indirect_dma semaphore(%arg12 : memref<!tpu.dma_semaphore, #tpu.memory_space<semaphore_mem>>) src(%dma_wait3A_89 : memref<32768xf32, #tpu.memory_space<hbm>>) dst(%dma_wait3A_85 : memref<128xf32, #tpu.memory_space<vmem>>)
    %dma_wait3A_90 = arith.constant 256 : i32
    %dma_wait3A_91 = tpu.memref_slice %arg10[%dma_wait3A_90] : memref<512xf32, #tpu.memory_space<vmem>> -> memref<128xf32, #tpu.memory_space<vmem>>
    %dma_wait3A_92 = arith.constant 256 : i32
    %dma_wait3A_93 = tpu.memref_slice %arg8[%dma_wait3A_92] : memref<512xi32, #tpu.memory_space<vmem>> -> memref<128xi32, #tpu.memory_space<vmem>>
    %dma_wait3A_94 = arith.constant 0 : i32
    %dma_wait3A_95 = tpu.memref_slice %arg4[%dma_wait3A_94] : memref<32768xf32, #tpu.memory_space<hbm>> -> memref<32768xf32, #tpu.memory_space<hbm>>
    tpu.wait_indirect_dma semaphore(%arg12 : memref<!tpu.dma_semaphore, #tpu.memory_space<semaphore_mem>>) src(%dma_wait3A_95 : memref<32768xf32, #tpu.memory_space<hbm>>) dst(%dma_wait3A_91 : memref<128xf32, #tpu.memory_space<vmem>>)
    %dma_wait3A_96 = arith.constant 384 : i32
    %dma_wait3A_97 = tpu.memref_slice %arg10[%dma_wait3A_96] : memref<512xf32, #tpu.memory_space<vmem>> -> memref<128xf32, #tpu.memory_space<vmem>>
    %dma_wait3A_98 = arith.constant 384 : i32
    %dma_wait3A_99 = tpu.memref_slice %arg8[%dma_wait3A_98] : memref<512xi32, #tpu.memory_space<vmem>> -> memref<128xi32, #tpu.memory_space<vmem>>
    %dma_wait3A_100 = arith.constant 0 : i32
    %dma_wait3A_101 = tpu.memref_slice %arg4[%dma_wait3A_100] : memref<32768xf32, #tpu.memory_space<hbm>> -> memref<32768xf32, #tpu.memory_space<hbm>>
    tpu.wait_indirect_dma semaphore(%arg12 : memref<!tpu.dma_semaphore, #tpu.memory_space<semaphore_mem>>) src(%dma_wait3A_101 : memref<32768xf32, #tpu.memory_space<hbm>>) dst(%dma_wait3A_97 : memref<128xf32, #tpu.memory_space<vmem>>)
    %scan3A_102 = arith.constant 0 : i32
    %scan3A_103 = arith.constant 32 : i32
    %scan3A_104 = arith.addi %scan3A_102, %scan3A_103 : i32
    %scan3A_105 = arith.constant 1 : i32
    scf.for %scan3A_107 = %scan3A_102 to %scan3A_104 step %scan3A_105  : i32 {
      %mul3A_108 = arith.constant 16 : i32
      %mul3A_109 = arith.muli %scan3A_107, %mul3A_108 : i32
      %get3A = arith.index_cast %mul3A_109 : i32 to index
      %get3A_110 = tpu.vector_load %arg6[%get3A] {strides = array<i32>} : memref<512xi32, #tpu.memory_space<vmem>>, vector<16xi32>,
      %get3A_111 = vector.shape_cast %get3A_110 : vector<16xi32> to vector<16xi32>
      %ne3A = arith.constant -100 : i32
      %ne3A_112 = vector.broadcast %ne3A : i32 to vector<16xi32>
      %ne3A_113 = arith.cmpi ne, %get3A_111, %ne3A_112 : vector<16xi32>
      %get3A_114 = arith.index_cast %mul3A_109 : i32 to index
      %get3A_115 = tpu.vector_load %arg10[%get3A_114] {strides = array<i32>} : memref<512xf32, #tpu.memory_space<vmem>>, vector<16xf32>,
      %get3A_116 = vector.shape_cast %get3A_115 : vector<16xf32> to vector<16xf32>
      %get3A_117 = arith.index_cast %mul3A_109 : i32 to index
      %get3A_118 = tpu.vector_load %arg9[%get3A_117] {strides = array<i32>} : memref<512xf32, #tpu.memory_space<vmem>>, vector<16xf32>,
      %get3A_119 = vector.shape_cast %get3A_118 : vector<16xf32> to vector<16xf32>
      %mul3A_120 = arith.mulf %get3A_116, %get3A_119 : vector<16xf32>
      %neg3A = arith.constant 0.000000e+00 : f32
      %neg3A_121 = vector.broadcast %neg3A : f32 to vector<16xf32>
      %neg3A_122 = arith.subf %neg3A_121, %mul3A_120 : vector<16xf32>
      %jit3A = arith.constant 0.000000e+00 : f32
      %broadcast_in_dim3A = vector.broadcast %jit3A : f32 to vector<16xf32>
      %select_n3A = arith.select %ne3A_113, %neg3A_122, %broadcast_in_dim3A : vector<16xi1>, vector<16xf32>
      %swap3A = arith.index_cast %mul3A_109 : i32 to index
      %swap3A_123 = tpu.vector_load %arg11[%swap3A] {strides = array<i32>} : memref<512xf32, #tpu.memory_space<vmem>>, vector<16xf32>,
      %swap3A_124 = vector.shape_cast %swap3A_123 : vector<16xf32> to vector<16xf32>
      %swap3A_125 = vector.shape_cast %select_n3A : vector<16xf32> to vector<16xf32>
      tpu.vector_store %arg11[%swap3A], %swap3A_125 {strides = array<i32>} : memref<512xf32, #tpu.memory_space<vmem>>, vector<16xf32>,
    }
    %scan3A_106 = arith.constant 32 : i32
    "tpu.region"() ({
      %run_scoped3A = tpu.sem_alloc : memref<!tpu.dma_semaphore, #tpu.memory_space<semaphore_mem>>
      %dma_start3A_107 = tpu.memref_slice %arg5[%mul3A_2] : memref<16384xf32, #tpu.memory_space<hbm>> -> memref<512xf32, #tpu.memory_space<hbm>>
      %dma_start3A_108 = tpu.memref_slice %arg5[%mul3A_2] : memref<16384xf32, #tpu.memory_space<hbm>> -> memref<512xf32, #tpu.memory_space<hbm>>
      tpu.enqueue_dma source(%arg11 : memref<512xf32, #tpu.memory_space<vmem>>) target(%dma_start3A_108 : memref<512xf32, #tpu.memory_space<hbm>>) target_semaphore(%run_scoped3A : memref<!tpu.dma_semaphore, #tpu.memory_space<semaphore_mem>>)
      %dma_wait3A_109 = tpu.memref_slice %arg5[%mul3A_2] : memref<16384xf32, #tpu.memory_space<hbm>> -> memref<512xf32, #tpu.memory_space<hbm>>
      %dma_wait3A_110 = tpu.memref_slice %arg5[%mul3A_2] : memref<16384xf32, #tpu.memory_space<hbm>> -> memref<512xf32, #tpu.memory_space<hbm>>
      tpu.wait_dma2 semaphore(%run_scoped3A : memref<!tpu.dma_semaphore, #tpu.memory_space<semaphore_mem>>) src(%arg11 : memref<512xf32, #tpu.memory_space<vmem>>) dst(%dma_wait3A_110 : memref<512xf32, #tpu.memory_space<hbm>>)
      tpu.yield
    }) : () -> ()
    return
  }
}

</mosaic_0001>

<sc_bundles>
// kernel: kernel.3.cloned.1.call-start
scs
__scs_entry_jumppad:
0x0: {  	(pc) =	sbr.rel $0x88, $3  }
0x1: {  	(tag) =	ssettag $0x0;
	lr =	simm.s32 $0x1  }
0x2: {  	[smem:$0x3F9E] =	sst lr;
	_ =	strace $0xD0000000  }
0x3: {  	_ = 	snop  }
0x4: {  	_ = 	snop  }
0x5: {  	_ = 	snop  }
0x6: {  	_ = 	snop  }
0x7: {  	_ = 	snop  }
__scs_overlays_trampoline_lowered:
0x8: {  	[smem:$0x3FAD] =	sst s0  }
0x9: {  	[smem:$0x3FAE] =	sst s1  }
0xa: {  	[smem:$0x3FAF] =	sst s2  }
0xb: {  	[smem:$0x3FB0] =	sst s3  }
0xc: {  	[smem:$0x3FB1] =	sst s4  }
0xd: {  	[smem:$0x3FB2] =	sst s5  }
0xe: {  	[smem:$0x3FB3] =	sst s6  }
0xf: {  	[smem:$0x3FB4] =	sst s7  }
0x10: {  	[smem:$0x3FB5] =	sst s8  }
0x11: {  	[smem:$0x3FB6] =	sst s9;
	s0 =	simm.s32 @!p0 $0x0  }
0x12: {  	s1 =	sld [smem:$0x3F9C];
	s0 =	simm.s32 @p0 $0x1  }
0x13: {  	[smem:$0x3FB7] =	sst s0;
	s0 =	simm.s32 @!p1 $0x0  }
0x14: {  	s2 =	sld [smem:$0x3F9B];
	s0 =	simm.s32 @p1 $0x1  }
0x15: {  	[smem:$0x3FB8] =	sst s0;
	s0 =	simm.s32 @!p2 $0x0  }
0x16: {  	s3 =	sld [smem:$0x3FDB];
	s0 =	simm.s32 @p2 $0x1  }
0x17: {  	s4 =	simm.s32 $0x1BF5;
	[smem:$0x3FBA] =	sst s0  }
0x18: {  	s0 =	sld [smem:$0x3F9D];
	_ =	swait.ge [sflag:s4], $0x0  }
0x19: {  	s7 =	sld [smem:$0x3F9E]  }
0x1a: {  	s8 =	sadd.s32 $0xFFFFE003, lr  }
0x1b: {  	s9 =	sadd.s32 $0xFFFFFEF7, lr;
	s5 =	simm.s32 $0xFFFFFFFF;
	p2 =	slt.u32 s8, $0xFFFFF086  }
0x1c: {  	p1 =	slt.u32 s9, $0xF7A;
	s5 =	simm.s32 @!p2 $0x0  }
0x1d: {  	s5 =	simm.s32 @p1 $0x1;
	p0 =	seq.s32 s7, s2  }
0x1e: {  	s7 =	smul.u32 @!p0 $0xF7A, s2;
	p2 =	seq.s32 @!p0 s5, $0x0  }
0x1f: {  	s9 =	smul.u32 $0xF7A, s1;
	s8 =	simm.s32 @!p0 $0x1BF5;
	p2 =	por !p2, p0  }
0x20: {  	[sflag:s8] =	ssyncset.s32 @!p0 $0xFFFFF086;
	s6 =	sadd.s32 @!p0 s3, s7;
	s7 =	simm.s32 @!p0 $0x108  }
0x21: {  	s3 =	sadd.s32 s3, s9;
	s6 =	sadd.s32 @!p0 $0x88, s6;
	s7 =	simm.s32 @p2 $0x1082  }
0x22: {  	[simem:s7], [sflag:s8] =	dma.local @!p0 [hbm:s6], $0xF7A  }
0x23: {  	s9 =	sor.u32 $0xD0000000, s2;
	s6 =	simm.s32 $0x108;
	_ =	swait.ge @!p0 [sflag:s8], $0x0  }
0x24: {  	s3 =	sadd.s32 $0x88, s3;
	s6 =	simm.s32 @!p1 $0x1082;
	[sflag:s4] =	ssyncset.s32 $0xFFFFF086  }
0x25: {  	[simem:s6], [sflag:s4] =	dma.local [hbm:s3], $0xF7A  }
0x26: {  	[smem:$0x3F9E] =	sst s1;
	(tag) =	ssettag s2;
	_ =	strace s9  }
0x27: {  	s1 =	sld [smem:$0x3FAE]  }
0x28: {  	s2 =	sld [smem:$0x3FAF]  }
0x29: {  	s4 =	sld [smem:$0x3FB1]  }
0x2a: {  	p0 =	seq.s32 s5, $0x0;
	s5 =	sld [smem:$0x3FB2]  }
0x2b: {  	s6 =	sld [smem:$0x3FB3]  }
0x2c: {  	s7 =	sld [smem:$0x3FB4]  }
0x2d: {  	s3 =	simm.s32 $0x108;
	s8 =	sld [smem:$0x3FB5]  }
0x2e: {  	s3 =	simm.s32 @!p0 $0x1082;
	s9 =	sld [smem:$0x3FB6]  }
0x2f: {  	lr =	sadd.s32 s0, s3;
	s0 =	sld [smem:$0x3FAD]  }
0x30: {  	s3 =	sld [smem:$0x3FB0]  }
0x31: {  	[smem:$0x3FB9] =	sst s10  }
0x32: {  	s10 =	sld [smem:$0x3FB7];
	_ =	sdelay $0x3  }
0x33: {  	p0 =	seq.s32 s10, $0x1;
	s10 =	sld [smem:$0x3FB9];
	_ =	sdelay $0x3  }
0x34: {  	[smem:$0x3FB9] =	sst s10  }
0x35: {  	s10 =	sld [smem:$0x3FB8];
	_ =	sdelay $0x3  }
0x36: {  	p1 =	seq.s32 s10, $0x1;
	s10 =	sld [smem:$0x3FB9];
	_ =	sdelay $0x3  }
0x37: {  	[smem:$0x3FB9] =	sst s10  }
0x38: {  	s10 =	sld [smem:$0x3FBA]  }
0x39: {  	_ = 	snop;
	(pc) =	sbr.ind lr, $3  }
0x3a: {  	_ = 	snop  }
0x3b: {  	_ = 	snop  }
0x3c: {  	p2 =	seq.s32 s10, $0x1;
	s10 =	sld [smem:$0x3FB9]  }
0x3d: {  	_ =	shalt  }
0x3e: {  	_ =	shalt  }
0x3f: {  	_ =	shalt  }
0x40: {  	_ =	shalt  }
0x41: {  	_ =	shalt  }
0x42: {  	_ =	shalt  }
0x43: {  	_ =	shalt  }
0x44: {  	_ =	shalt  }
0x45: {  	_ =	shalt  }
0x46: {  	_ =	shalt  }
0x47: {  	_ =	shalt  }
0x48: {  	_ =	shalt  }
0x49: {  	_ =	shalt  }
0x4a: {  	_ =	shalt  }
0x4b: {  	_ =	shalt  }
0x4c: {  	_ =	shalt  }
0x4d: {  	_ =	shalt  }
0x4e: {  	_ =	shalt  }
0x4f: {  	_ =	shalt  }
0x50: {  	_ =	shalt  }
0x51: {  	_ =	shalt  }
0x52: {  	_ =	shalt  }
0x53: {  	_ =	shalt  }
0x54: {  	_ =	shalt  }
0x55: {  	_ =	shalt  }
0x56: {  	_ =	shalt  }
0x57: {  	_ =	shalt  }
0x58: {  	_ =	shalt  }
0x59: {  	_ =	shalt  }
0x5a: {  	_ =	shalt  }
0x5b: {  	_ =	shalt  }
0x5c: {  	_ =	shalt  }
0x5d: {  	_ =	shalt  }
0x5e: {  	_ =	shalt  }
0x5f: {  	_ =	shalt  }
0x60: {  	_ =	shalt  }
0x61: {  	_ =	shalt  }
0x62: {  	_ =	shalt  }
0x63: {  	_ =	shalt  }
0x64: {  	_ =	shalt  }
0x65: {  	_ =	shalt  }
0x66: {  	_ =	shalt  }
0x67: {  	_ =	shalt  }
0x68: {  	_ =	shalt  }
0x69: {  	_ =	shalt  }
0x6a: {  	_ =	shalt  }
0x6b: {  	_ =	shalt  }
0x6c: {  	_ =	shalt  }
0x6d: {  	_ =	shalt  }
0x6e: {  	_ =	shalt  }
0x6f: {  	_ =	shalt  }
0x70: {  	_ =	shalt  }
0x71: {  	_ =	shalt  }
0x72: {  	_ =	shalt  }
0x73: {  	_ =	shalt  }
0x74: {  	_ =	shalt  }
0x75: {  	_ =	shalt  }
0x76: {  	_ =	shalt  }
0x77: {  	_ =	shalt  }
0x78: {  	_ =	shalt  }
0x79: {  	_ =	shalt  }
0x7a: {  	_ =	shalt  }
0x7b: {  	_ =	shalt  }
0x7c: {  	_ =	shalt  }
0x7d: {  	_ =	shalt  }
0x7e: {  	_ =	shalt  }
0x7f: {  	_ =	shalt  }
0x80: {  	_ =	shalt  }
0x81: {  	_ =	shalt  }
0x82: {  	_ =	shalt  }
0x83: {  	_ =	shalt  }
0x84: {  	_ =	shalt  }
0x85: {  	_ =	shalt  }
0x86: {  	_ =	shalt  }
0x87: {  	_ =	shalt  }
.Lfunc_end0:
.L_simem_size_0:
called_computation_lowered:
.L_overlay_start_0:
0x88: {  	s2 =	sld [smem:$0x3FD9]  }
0x89: {  	s3 =	sld [smem:$0x3FFE];
	_ =	sdelay $0x1  }
0x8a: {  	s1 =	srdreg.scid  }
0x8b: {  	s0 =	sand.u32 $0x1, s1  }
0x8c: {  	s17 =	sshll.u32 s0, $0xA;
	s2 =	sadd.s32 s3, s2  }
0x8d: {  	s2 =	sadd.s32 s2, s17  }
0x8e: {  	[smem:$0x3FC5] =	sst s2  }
0x8f: {  	_ = 	snop  }
0x90: {  	s2 =	sld [smem:$0x3FC9]  }
0x91: {  	s18 =	sld [smem:$0x3FC8]  }
0x92: {  	s4 =	sld [smem:$0x3FD0];
	(tm) =	ssettm $0x1  }
0x93: {  	s5 =	sld [smem:$0x3FFB];
	_ =	sdelay $0x3  }
0x94: {  	_ =	strace s5  }
0x95: {  	s5 =	sld [smem:$0x3FFC];
	_ =	sdelay $0x3  }
0x96: {  	_ =	strace s5  }
0x97: {  	s5 =	sld [smem:$0x3FFD];
	_ =	sdelay $0x3  }
0x98: {  	_ =	strace s5  }
0x99: {  	_ =	strace $0x8FFFFFFF  }
0x9a: {  	s19 =	sld [smem:$0x3FDB];
	_ =	sdelay $0x1  }
0x9b: {  	s6 =	simm.s32 $_scs_section_size  }
0x9c: {  	s7 =	simm.s32 $_size__tile_overlayer_lowered;
	s8 =	simm.s32 $_tile_overlayer_lowered  }
0x9d: {  	s22 =	simm.s32 $0x1BFF;
	s21 =	sshll.u32 s8, $0x1;
	s5 =	sadd.s32 s6, s19  }
0x9e: {  	s9 =	simm.s32 $0x0;
	s20 =	sshll.u32 s7, $0x1;
	s7 =	sadd.s32 s21, s5  }
0x9f: {  	[timem:s9], [sflag:s22] =	dma.local [hbm:s7], s20  }
0xa0: {  	_ =	swait.ge [sflag:s22], s20  }
0xa1: {  	s6 =	ssub.s32 $0x0, s20;
	[sflag:s22] =	ssyncset.done $0x0  }
0xa2: {  	[sflag:s22] =	ssyncadd.s32 s6;
	_ =	sdelay $0x1  }
0xa3: {  	s23 =	simm.s32 $0x1B8B  }
0xa4: {  	_ =	swait.ge [sflag:s23], $0x1  }
0xa5: {  	[sflag:s23] =	ssyncset.done $0x0  }
0xa6: {  	s25 =	simm.s32 $0x1B8E;
	s24 =	sld [smem:$0x3FFE];
	[sflag:s23] =	ssyncadd.s32 $0xFFFFFFFF  }
0xa7: {  	s26 =	simm.s32 $execute0_lowered;
	[smem:$0x3FD2] =	sst s25  }
0xa8: {  	s7 =	sshll.u32 s26, $0x1;
	_ =	strace $0x80000046;
	[dreg:$0x1] =	wrdreg $0xFFFFFFFF  }
0xa9: {  	s28 =	simm.s32 $_size_execute0_lowered;
	s5 =	sadd.s32 s5, s7;
	[dreg:$0x0] =	wrdreg $0x0  }
0xaa: {  	s7 =	sshll.u32 s28, $0x1;
	[dreg:$0x2] =	wrdreg s5  }
0xab: {  	[dreg:$0x3] =	wrdreg s7  }
0xac: {  	[dreg:$0x4] =	wrdreg $0xC0  }
0xad: {  	_ =	task [dreg:s9], $0x5FFFF  }
0xae: {  	[dreg:$0x1] =	wrdreg $0xFFFFFFFF  }
0xaf: {  	[dreg:$0x0] =	wrdreg $0x60  }
0xb0: {  	[dreg:$0x2] =	wrdreg s2  }
0xb1: {  	[dreg:$0x3] =	wrdreg s18  }
0xb2: {  	[dreg:$0x4] =	wrdreg s24  }
0xb3: {  	[dreg:$0x5] =	wrdreg s4  }
0xb4: {  	[dreg:$0x6] =	wrdreg $0x9  }
0xb5: {  	_ =	task.clear_ibuf [dreg:s9], $0x7FFFF;
	_ =	strace $0x90000046  }
0xb6: {  	s29 =	simm.s32 $0x9;
	_ =	strace $0x80000048  }
0xb7: {  	_ =	swait.ge [sflag:s29], $0x1  }
0xb8: {  	[sflag:s29] =	ssyncadd.s32 $0xFFFFFFFF  }
0xb9: {  	_ =	strace $0x90000048  }
0xba: {  	_ =	sfence  }
0xbb: {  	s30 =	sld [smem:$0x0];
	_ =	sdelay $0x2  }
0xbc: {  	s31 =	sshll.u32 s1, $0xD;
	s1 =	sshrl.u32 s1, $0x2  }
0xbd: {  	s3 =	sand.u32 $0x4000, s31;
	s1 =	sadd.s32 s1, s30  }
0xbe: {  	s0 =	sor.u32 s3, s0;
	s1 =	sshll.u32 s1, $0x11  }
0xbf: {  	s0 =	sor.u32 s1, s0  }
0xc0: {  	s0 =	sadd.s32 $0x8F2B, s0  }
0xc1: {  	[sflag:s0] =	ssyncadd.remote.s32 $0x1  }
0xc2: {  	_ =	sfence.sel $0xFFFF  }
0xc3: {  	[dreg:$0x0] =	wrdreg $0xFFFFFFFF;
	(pc) =	sbr.abs _section_cstart, $3  }
0xc4: {  	[dreg:$0x1] =	wrdreg $0xFFFFFFFF  }
0xc5: {  	_ =	task.clear_ibuf [dreg:s9], $0x2FFFF;
	_ =	strace $0x9FFFFFFF  }
0xc6: {  	(tm) =	ssettm $0x7FFFFFFF  }
0xc7: {  	_ =	shalt  }
tec
execute0_lowered:
.L_overlay_start_1:
0x0: {  	(tag) =	ssettag $0x1  }
0x1: {  	s1 =	rddreg [dreg:$0x0]  }
0x2: {  	s0 =	rddreg [dreg:$0x1]  }
0x3: {  	s2 =	rddreg [dreg:$0x2]  }
0x4: {  	s6 =	rddreg [dreg:$0x3]  }
0x5: {  	s4 =	srdreg.scid;
	s11 =	stileid.u32;
	s3 =	simm.s32 $0x0  }
0x6: {  	s13 =	simm.s32 $0x280;
	s14 =	simm.s32 $0x680;
	s15 =	simm.s32 $0x300  }
0x7: {  	s16 =	simm.s32 $0x700;
	s17 =	simm.s32 $0x380;
	s18 =	simm.s32 $0x780  }
0x8: {  	s19 =	simm.s32 $0x400;
	s20 =	simm.s32 $0x800;
	s21 =	simm.s32 $0x480  }
0x9: {  	s22 =	simm.s32 $0x880;
	s23 =	simm.s32 $0x500;
	s24 =	simm.s32 $0x900  }
0xa: {  	s25 =	simm.s32 $0x580;
	s28 =	simm.s32 $0x1;
	s29 =	simm.s32 $0xA00  }
0xb: {  	s30 =	simm.s32 $0x0;
	s7 =	sand.u32 $0x1, s4;
	s8 =	sshll.u32 s11, $0x1  }
0xc: {  	[smem:$0x7FF] =	sst s3;
	s4 =	sadd.s32 $0x400, s2;
	s26 =	sshll.u32 s11, $0xA  }
0xd: {  	s5 =	ssub.s32 $0x2, s7;
	s8 =	sor.u32 s7, s8;
	_ =	strace $0x80000047  }
0xe: {  	s31 =	sshll.u32 s7, $0x9;
	s9 =	sshrl.u32 s5, $0x1;
	s10 =	sshll.u32 s8, $0x6  }
0xf: {  	s12 =	sshll.u32 s8, $0xA;
	s8 =	sor.u32 s31, s26;
	s26 =	simm.s32 $0x980  }
0x10: {  	s9 =	ssub.s32 s5, s9;
	s5 =	sadd.s32 s0, s10;
	s6 =	sadd.s32 s6, s10  }
0x11: {  	v1 =	vlaneseq.u32;
	s10 =	simm.s32 $0x80;
	v0 =	vmov s12;
	s7 =	smax.u32 s9, $0x1;
	s9 =	simm.s32 $0x2  }
.LBB2_1:
0x12: {  	[tilespmem:s3], [sflag:$0x2] =	stream.linear.gather [hbm4b:s5+s3], $0x200, $0x38;
	[tilespmem:$0xC00] =	vst v63  }
0x13: {  	_ =	swait.ge [sflag:s9], $0x200  }
0x14: {  	[sflag:s9] =	ssyncset.done $0x0  }
0x15: {  	s31 =	simm.s32 $0x0;
	[sflag:s9] =	ssyncadd.s32 $0xFFFFFE00  }
0x16: {  	v2 =	vld [tilespmem:s31+$0x0];
	_ =	sdelay $0x4  }
0x17: {  	vm0 =	veq.s32 v2, $0xFFFFFF9C  }
0x18: {  	v3 =	vmov s8;
	s0 =	simm.s32 $0x10;
	v2 =	vsel vm0, $0x0, v2  }
0x19: {  	v4 =	vadd.s32 v0, v2;
	v5 =	vshll.u32 v2, $0xE;
	v6 =	vshll.u32 v2, $0x7;
	v2 =	vld [tilespmem:s0+$0x0]  }
0x1a: {  	v3 =	vshll.u32 v3, $0x3  }
0x1b: {  	v3 =	vand.u32 $0x7FFFFC00, v3;
	v5 =	vand.u32 $0xFFFE0000, v5  }
0x1c: {  	v6 =	vand.u32 $0x380, v6;
	v3 =	vadd.s32 v3, v5;
	v5 =	vor.u32 s8, v1  }
0x1d: {  	s11 =	simm.s32 $0x80;
	s2 =	sadd.s32 $0x10, s8;
	[tilespmem:s31+$0x400] =	vst v4;
	v3 =	vor.u32 v6, v3;
	v4 =	vand.u32 $0x7F, v5  }
.LBB2_2:
0x1e: {  	s12 =	sshra.s32 s11, $0x2;
	p0 =	sne.s32 s11, $0x7C0;
	s11 =	sadd.s32 $0x40, s11;
	vm0 =	veq.s32 v2, $0xFFFFFF9C;
	v3 =	vor.u32 v4, v3  }
.Ltmp0:
0x1f: {  	v5 =	vmov s2;
	v4 =	vsel vm0, $0x0, v2;
	v2 =	vld [tilespmem:s12+$0x0];
	[tilespmem:s31+$0x200] =	vst v3;
	s31 =	smov.u32 s0;
	s0 =	smov.u32 s12;
	(pc) =	sbr.rel @p0 .LBB2_2-.Ltmp0, $4  }
0x20: {  	v5 =	vshll.u32 v5, $0x3;
	v3 =	vadd.s32 v0, v4;
	v6 =	vshll.u32 v4, $0xE  }
0x21: {  	v5 =	vand.u32 $0x7FFFFC00, v5;
	v4 =	vshll.u32 v4, $0x7;
	[tilespmem:s31+$0x400] =	vst v3;
	v3 =	vand.u32 $0xFFFE0000, v6  }
0x22: {  	v6 =	vor.u32 s2, v1;
	v4 =	vand.u32 $0x380, v4;
	v3 =	vadd.s32 v5, v3  }
0x23: {  	s2 =	sadd.s32 $0x10, s2;
	v3 =	vor.u32 v4, v3;
	v4 =	vand.u32 $0x7F, v6  }
0x24: {  	vm0 =	veq.s32 v2, $0xFFFFFF9C  }
0x25: {  	v5 =	vmov s2;
	v2 =	vsel vm0, $0x0, v2  }
0x26: {  	v3 =	vor.u32 v4, v3;
	v5 =	vshll.u32 v5, $0x3;
	v4 =	vshll.u32 v2, $0xE  }
0x27: {  	v5 =	vand.u32 $0x7FFFFC00, v5;
	v6 =	vshll.u32 v2, $0x7;
	v4 =	vand.u32 $0xFFFE0000, v4  }
0x28: {  	v6 =	vand.u32 $0x380, v6;
	v4 =	vadd.s32 v5, v4;
	v5 =	vor.u32 s2, v1  }
0x29: {  	[tilespmem:s31+$0x200] =	vst v3;
	v2 =	vadd.s32 v0, v2;
	v3 =	vor.u32 v6, v4;
	v4 =	vand.u32 $0x7F, v5  }
0x2a: {  	[tilespmem:s0+$0x400] =	vst v2;
	v2 =	vor.u32 v4, v3  }
0x2b: {  	s12 =	simm.s32 $0x200;
	s31 =	simm.s32 $0x600;
	[tilespmem:s0+$0x200] =	vst v2  }
0x2c: {  	[tilespmem:s31], [sflag:$0x1] =	stream.indirect.gather [hbm4b:s1+s10], $0x1, s12, s10, $0xb8;
	[tilespmem:$0xC00] =	vst v63  }
0x2d: {  	_ = 	snop  }
0x2e: {  	[tilespmem:s14], [sflag:$0x1] =	stream.indirect.gather [hbm4b:s1+s10], $0x1, s13, s10, $0xb8;
	[tilespmem:$0xC00] =	vst v63  }
0x2f: {  	_ = 	snop  }
0x30: {  	[tilespmem:s16], [sflag:$0x1] =	stream.indirect.gather [hbm4b:s1+s10], $0x1, s15, s10, $0xb8;
	[tilespmem:$0xC00] =	vst v63  }
0x31: {  	_ = 	snop  }
0x32: {  	[tilespmem:s18], [sflag:$0x1] =	stream.indirect.gather [hbm4b:s1+s10], $0x1, s17, s10, $0xb8;
	[tilespmem:$0xC00] =	vst v63  }
0x33: {  	_ = 	snop  }
0x34: {  	[tilespmem:s20], [sflag:$0x1] =	stream.indirect.gather [hbm4b:s4+s10], $0x1, s19, s10, $0xb8;
	[tilespmem:$0xC00] =	vst v63  }
0x35: {  	_ = 	snop  }
0x36: {  	[tilespmem:s22], [sflag:$0x1] =	stream.indirect.gather [hbm4b:s4+s10], $0x1, s21, s10, $0xb8;
	[tilespmem:$0xC00] =	vst v63  }
0x37: {  	_ = 	snop  }
0x38: {  	[tilespmem:s24], [sflag:$0x1] =	stream.indirect.gather [hbm4b:s4+s10], $0x1, s23, s10, $0xb8;
	[tilespmem:$0xC00] =	vst v63  }
0x39: {  	_ = 	snop  }
0x3a: {  	[tilespmem:s26], [sflag:$0x1] =	stream.indirect.gather [hbm4b:s4+s10], $0x1, s25, s10, $0xb8;
	[tilespmem:$0xC00] =	vst v63  }
0x3b: {  	_ =	swait.ge [sflag:s28], $0x80  }
0x3c: {  	[sflag:s28] =	ssyncset.done $0x0  }
0x3d: {  	[sflag:s28] =	ssyncadd.s32 $0xFFFFFF80  }
0x3e: {  	_ =	swait.ge [sflag:s28], $0x80  }
0x3f: {  	[sflag:s28] =	ssyncset.done $0x0  }
0x40: {  	[sflag:s28] =	ssyncadd.s32 $0xFFFFFF80  }
0x41: {  	_ =	swait.ge [sflag:s28], $0x80  }
0x42: {  	[sflag:s28] =	ssyncset.done $0x0  }
0x43: {  	[sflag:s28] =	ssyncadd.s32 $0xFFFFFF80  }
0x44: {  	_ =	swait.ge [sflag:s28], $0x80  }
0x45: {  	[sflag:s28] =	ssyncset.done $0x0  }
0x46: {  	[sflag:s28] =	ssyncadd.s32 $0xFFFFFF80  }
0x47: {  	_ =	swait.ge [sflag:s28], $0x80  }
0x48: {  	[sflag:s28] =	ssyncset.done $0x0  }
0x49: {  	[sflag:s28] =	ssyncadd.s32 $0xFFFFFF80  }
0x4a: {  	_ =	swait.ge [sflag:s28], $0x80  }
0x4b: {  	[sflag:s28] =	ssyncset.done $0x0  }
0x4c: {  	[sflag:s28] =	ssyncadd.s32 $0xFFFFFF80  }
0x4d: {  	_ =	swait.ge [sflag:s28], $0x80  }
0x4e: {  	[sflag:s28] =	ssyncset.done $0x0  }
0x4f: {  	[sflag:s28] =	ssyncadd.s32 $0xFFFFFF80  }
0x50: {  	_ =	swait.ge [sflag:s28], $0x80  }
0x51: {  	[sflag:s28] =	ssyncset.done $0x0  }
0x52: {  	s0 =	simm.s32 $0x0;
	[sflag:s28] =	ssyncadd.s32 $0xFFFFFF80  }
0x53: {  	v2 =	vld [tilespmem:s0+$0x800]  }
0x54: {  	v3 =	vld [tilespmem:s0+$0x600];
	_ =	sdelay $0x3  }
0x55: {  	v4 =	vld [tilespmem:s0+$0x0]  }
0x56: {  	s2 =	simm.s32 $0x10;
	v3 =	vmul.f32 v3, v2  }
0x57: {  	v2 =	vld [tilespmem:s2+$0x800]  }
0x58: {  	v5 =	vsub.f32 $0.0e+00, v3;
	v3 =	vld [tilespmem:s2+$0x600];
	_ =	sdelay $0x1  }
0x59: {  	vm15 =	veq.s32 v4, $0xFFFFFF9C  }
0x5a: {  	s11 =	simm.s32 $0x80;
	v4 =	vld [tilespmem:s2+$0x0];
	v5 =	vsel vm15, $0x0, v5  }
.LBB2_4:
0x5b: {  	[tilespmem:s0+$0xA00] =	vst v5;
	s0 =	smov.u32 s2;
	s2 =	sshra.s32 s11, $0x2;
	p0 =	sne.s32 s11, $0x7C0  }
.Ltmp1:
0x5c: {  	s11 =	sadd.s32 $0x40, s11;
	v5 =	vmul.f32 v3, v2;
	v2 =	vld [tilespmem:s2+$0x800];
	(pc) =	sbr.rel @p0 .LBB2_4-.Ltmp1, $4  }
0x5d: {  	v3 =	vld [tilespmem:s2+$0x600]  }
0x5e: {  	v5 =	vsub.f32 $0.0e+00, v5  }
0x5f: {  	vm0 =	veq.s32 v4, $0xFFFFFF9C  }
0x60: {  	v4 =	vld [tilespmem:s2+$0x0];
	v5 =	vsel vm0, $0x0, v5  }
0x61: {  	_ = 	snop  }
0x62: {  	v2 =	vmul.f32 v3, v2;
	_ =	sdelay $0x1  }
0x63: {  	v2 =	vsub.f32 $0.0e+00, v2  }
0x64: {  	s30 =	sadd.s32 $0x1, s30;
	vm0 =	veq.s32 v4, $0xFFFFFF9C  }
0x65: {  	[tilespmem:s0+$0xA00] =	vst v5;
	p0 =	sne.s32 s30, s7;
	v2 =	vsel vm0, $0x0, v2  }
.Ltmp2:
0x66: {  	[tilespmem:s2+$0xA00] =	vst v2;
	(pc) =	sbr.rel @p0 .LBB2_1-.Ltmp2, $4  }
0x67: {  	[hbm4b:s6+s3] =	stream.linear.scatter [tilespmem:s29], [sflag:$0x2], $0x200, $0x38;
	[tilespmem:$0xC00] =	vst v63  }
0x68: {  	_ =	swait.ge [sflag:s9], $0x200  }
0x69: {  	[sflag:s9] =	ssyncset.done $0x0  }
0x6a: {  	[sflag:s9] =	ssyncadd.s32 $0xFFFFFE00  }
0x6b: {  	_ =	sfence.sel $0x180000  }
0x6c: {  	[bflag:$0x0] =	sbarrier.arrive $0xFFFF  }
0x6d: {  	_ =	strace $0x90000047  }
0x6e: {  	s0 =	stileid.u32;
	[bflag:$0x2] =	sbarrier.arrive $0xFFFF  }
0x6f: {  	p0 =	sne.s32 s0, $0x0;
	s0 =	rddreg [dreg:$0x4]  }
0x70: {  	s0 =	sadd.s32 @!p0 $0x100000, s0  }
0x71: {  	[sflag:s0] =	ssyncadd.tile.s32 @!p0 $0x1;
	_ =	shalt  }
.Lfunc_end2:
_tile_overlayer_lowered:
.L_overlay_start_2:
0x72: {  	(tag) =	ssettag $0x2  }
0x73: {  	s0 =	rddreg [dreg:$0x0];
	s2 =	stileid.u32  }
0x74: {  	s1 =	rddreg [dreg:$0x1];
	p0 =	sne.s32 s2, $0x0  }
0x75: {  	s3 =	rddreg [dreg:$0x2];
	[bflag:$0x3] =	sbarrier.arrive $0xFFFF;
	s2 =	simm.s32 @!p0 $0x1C02  }
0x76: {  	[timem:s3], [sflag:s2] =	dma.local @!p0 [hbm:s0], s1  }
0x77: {  	s0 =	simm.s32 @!p0 $0x2  }
0x78: {  	_ =	swait.ge @!p0 [sflag:s0], s1  }
0x79: {  	s1 =	ssub.s32 @!p0 $0x0, s1;
	[sflag:s0] =	ssyncset.done @!p0 $0x0  }
0x7a: {  	[sflag:s0] =	ssyncadd.s32 @!p0 s1  }
0x7b: {  	[bflag:$0x3] =	sbarrier.arrive $0xFFFF  }
0x7c: {  	_ =	shalt  }

</sc_bundles>
